<compile_context>
chip_gen: v7x
topology: tpu7x:2x2x1
jax: 0.10.2.dev20260603
libtpu: 0.0.44.dev20260713+nightly
codegen_flags: <defaults>
</compile_context>

<pallas_src>
import functools

import jax
import jax.numpy as jnp
from jax import lax
from jax.experimental import pallas as pl
from jax.experimental.pallas import tpu as pltpu
from jax.experimental.pallas import tpu_sc as plsc

VOCAB = 1000000
D = 64
SEQ = 200
NTOK = 4096
B = NTOK * SEQ

_info = plsc.get_sparse_core_info()
NC, NS = _info.num_cores, _info.num_subcores
NW = NC * NS
B_PER_W = B // NW
CHUNK = 800
N_CHUNKS = B_PER_W // CHUNK
NBUF = 2


def _emb_kernel(table_hbm, idx_hbm, out_hbm, idx_v, rows_v, gsem, wsem):
    wid = lax.axis_index("s") * NC + lax.axis_index("c")
    base = wid * B_PER_W

    def start_gather(i, b):
        off = base + i * CHUNK
        pltpu.sync_copy(idx_hbm.at[pl.ds(off, CHUNK)], idx_v.at[b])
        pltpu.async_copy(table_hbm.at[idx_v.at[b]], rows_v.at[b], gsem)

    def wait_gather(b):
        pltpu.make_async_copy(table_hbm.at[idx_v.at[b]], rows_v.at[b], gsem).wait()

    def start_write(i, b):
        off = base + i * CHUNK
        pltpu.async_copy(
            rows_v.at[b], out_hbm.at[pl.ds(off, CHUNK), pl.ds(0, D)], wsem
        )

    def wait_write(b):
        pltpu.make_async_copy(
            rows_v.at[b], out_hbm.at[pl.ds(base, CHUNK), pl.ds(0, D)], wsem
        ).wait()

    start_gather(0, 0)

    def body(g, carry):
        for b in range(NBUF):
            i = g * NBUF + b
            nb = (b + 1) % NBUF

            @pl.when(i >= 1)
            def _():
                wait_write(nb)

            @pl.when(i + 1 < N_CHUNKS)
            def _():
                start_gather(i + 1, nb)

            wait_gather(b)
            start_write(i, b)
        return carry

    lax.fori_loop(0, N_CHUNKS // NBUF, body, 0)

    wait_write((N_CHUNKS - 1) % NBUF)


@jax.jit
def _embed(xf, table):
    mesh = plsc.VectorSubcoreMesh(core_axis_name="c", subcore_axis_name="s")
    f = functools.partial(
        pl.kernel,
        mesh=mesh,
        out_type=jax.ShapeDtypeStruct((B, 2 * D), jnp.float32),
        scratch_types=[
            pltpu.VMEM((NBUF, CHUNK), jnp.int32),
            pltpu.VMEM((NBUF, CHUNK, D), jnp.float32),
            pltpu.SemaphoreType.DMA,
            pltpu.SemaphoreType.DMA,
        ],
        compiler_params=pltpu.CompilerParams(use_tc_tiling_on_sc=False),
    )(_emb_kernel)
    return f(table, xf)


def kernel(x, table):
    tpad = jnp.pad(table, ((0, 0), (0, D)))
    t2 = tpad.reshape(2 * VOCAB, D)
    xf = 2 * x.reshape(-1)
    out2 = _embed(xf, t2)
    return out2.reshape(NTOK, SEQ, 2 * D)[..., :D]

# --- scband reference (transcript-rebuilt; emitter-appended) ---
"""Pipeline reference for scband-token-embedding-3152505995500 (READ-ONLY COPY).

The authoritative reference and input builder live on the scoring server;
editing this copy changes nothing except your own understanding.
"""

import jax, jax.numpy as jnp
import numpy as np

VOCAB = 1000000
D_MODEL = 64

def setup_inputs(seed: int = 0) -> dict:
    key = jax.random.key(seed)
    k_idx, k_tab = jax.random.split(key)
    x = jax.random.randint(k_idx, (4096, 200), 0, VOCAB, dtype=jnp.int64 if jax.config.jax_enable_x64 else jnp.int32)
    table = jax.random.normal(k_tab, (VOCAB, D_MODEL), dtype=jnp.float32)
    # padding_idx=0: row 0 is zero-initialized in nn.Embedding
    table = table.at[0].set(0.0)
    return {"x": x, "table": table}

def reference(x, table):
    # Faithful to nn.Embedding(vocab, d_model, padding_idx=0): plain gather.
    # Row 0 of table is already zero (padding row).
    return jnp.take(table, x, axis=0)

if __name__ == "__main__":
    import jax
    _d = setup_inputs()
    print(jax.jit(kernel)(*tuple(_d.values())))

</pallas_src>

<mosaic_0001>
#map = affine_map<(d0, d1) -> (0, 0)>
#map1 = affine_map<(d0, d1) -> (0)>
module attributes {stable_mosaic.version = 14 : i64} {
  func.func @_emb_kernel(%arg0: i32, %arg1: i32, %arg2: memref<2000000x64xf32, #tpu.memory_space<hbm>>, %arg3: memref<819200xi32, #tpu.memory_space<hbm>>, %arg4: memref<819200x128xf32, #tpu.memory_space<hbm>>, %arg5: memref<2x800xi32, #tpu.memory_space<vmem>>, %arg6: memref<2x800x64xf32, #tpu.memory_space<vmem>>, %arg7: memref<!tpu.dma_semaphore, #tpu.memory_space<semaphore_mem>>, %arg8: memref<!tpu.dma_semaphore, #tpu.memory_space<semaphore_mem>>) attributes {dimension_semantics = [#tpu.dimension_semantics<core_parallel>, #tpu.dimension_semantics<subcore_parallel>], iteration_bounds = array<i64: 2, 16>, scalar_prefetch = 0 : i64, scratch_operands = 4 : i64, tpu.core_type = #tpu.core_type<sc_vector_subcore>, window_params = [{transform_indices = #map}, {transform_indices = #map1}, {transform_indices = #map}]} {
    %mul3A = arith.constant 2 : i32
    %mul3A_0 = arith.muli %arg1, %mul3A : i32
    %add3A = arith.addi %mul3A_0, %arg0 : i32
    %mul3A_1 = arith.constant 25600 : i32
    %mul3A_2 = arith.muli %add3A, %mul3A_1 : i32
    %add3A_3 = arith.constant 0 : i32
    %add3A_4 = arith.addi %mul3A_2, %add3A_3 : i32
    %run_scoped3A = arith.constant 0 : i32
    "tpu.region"() ({
      %run_scoped3A_33 = tpu.sem_alloc : memref<!tpu.dma_semaphore, #tpu.memory_space<semaphore_mem>>
      %dma_start3A_34 = arith.constant 0 : i32
      %dma_start3A_35 = tpu.memref_slice %arg5[%run_scoped3A, %dma_start3A_34] : memref<2x800xi32, #tpu.memory_space<vmem>> -> memref<1x800xi32, #tpu.memory_space<vmem>>
      %dma_start3A_36 = tpu.memref_squeeze %dma_start3A_35 : memref<1x800xi32, #tpu.memory_space<vmem>> -> memref<800xi32, #tpu.memory_space<vmem>>
      %dma_start3A_37 = tpu.memref_slice %arg3[%add3A_4] : memref<819200xi32, #tpu.memory_space<hbm>> -> memref<800xi32, #tpu.memory_space<hbm>>
      %dma_start3A_38 = arith.constant 0 : i32
      %dma_start3A_39 = tpu.memref_slice %arg5[%run_scoped3A, %dma_start3A_38] : memref<2x800xi32, #tpu.memory_space<vmem>> -> memref<1x800xi32, #tpu.memory_space<vmem>>
      %dma_start3A_40 = tpu.memref_squeeze %dma_start3A_39 : memref<1x800xi32, #tpu.memory_space<vmem>> -> memref<800xi32, #tpu.memory_space<vmem>>
      %dma_start3A_41 = tpu.memref_slice %arg3[%add3A_4] : memref<819200xi32, #tpu.memory_space<hbm>> -> memref<800xi32, #tpu.memory_space<hbm>>
      tpu.enqueue_dma source(%dma_start3A_41 : memref<800xi32, #tpu.memory_space<hbm>>) target(%dma_start3A_40 : memref<800xi32, #tpu.memory_space<vmem>>) target_semaphore(%run_scoped3A_33 : memref<!tpu.dma_semaphore, #tpu.memory_space<semaphore_mem>>)
      %dma_wait3A_42 = arith.constant 0 : i32
      %dma_wait3A_43 = tpu.memref_slice %arg5[%run_scoped3A, %dma_wait3A_42] : memref<2x800xi32, #tpu.memory_space<vmem>> -> memref<1x800xi32, #tpu.memory_space<vmem>>
      %dma_wait3A_44 = tpu.memref_squeeze %dma_wait3A_43 : memref<1x800xi32, #tpu.memory_space<vmem>> -> memref<800xi32, #tpu.memory_space<vmem>>
      %dma_wait3A_45 = tpu.memref_slice %arg3[%add3A_4] : memref<819200xi32, #tpu.memory_space<hbm>> -> memref<800xi32, #tpu.memory_space<hbm>>
      %dma_wait3A_46 = arith.constant 0 : i32
      %dma_wait3A_47 = tpu.memref_slice %arg5[%run_scoped3A, %dma_wait3A_46] : memref<2x800xi32, #tpu.memory_space<vmem>> -> memref<1x800xi32, #tpu.memory_space<vmem>>
      %dma_wait3A_48 = tpu.memref_squeeze %dma_wait3A_47 : memref<1x800xi32, #tpu.memory_space<vmem>> -> memref<800xi32, #tpu.memory_space<vmem>>
      %dma_wait3A_49 = tpu.memref_slice %arg3[%add3A_4] : memref<819200xi32, #tpu.memory_space<hbm>> -> memref<800xi32, #tpu.memory_space<hbm>>
      tpu.wait_dma2 semaphore(%run_scoped3A_33 : memref<!tpu.dma_semaphore, #tpu.memory_space<semaphore_mem>>) src(%dma_wait3A_49 : memref<800xi32, #tpu.memory_space<hbm>>) dst(%dma_wait3A_48 : memref<800xi32, #tpu.memory_space<vmem>>)
      tpu.yield
    }) : () -> ()
    %dma_start3A = arith.constant 0 : i32
    %dma_start3A_5 = arith.constant 0 : i32
    %dma_start3A_6 = arith.constant 0 : i32
    %dma_start3A_7 = arith.constant 0 : i32
    %dma_start3A_8 = tpu.memref_slice %arg6[%dma_start3A_5, %dma_start3A_6, %dma_start3A_7] : memref<2x800x64xf32, #tpu.memory_space<vmem>> -> memref<1x800x64xf32, #tpu.memory_space<vmem>>
    %dma_start3A_9 = tpu.memref_squeeze %dma_start3A_8 : memref<1x800x64xf32, #tpu.memory_space<vmem>> -> memref<800x64xf32, #tpu.memory_space<vmem>>
    %dma_start3A_10 = arith.constant 0 : i32
    %dma_start3A_11 = tpu.memref_slice %arg5[%dma_start3A, %dma_start3A_10] : memref<2x800xi32, #tpu.memory_space<vmem>> -> memref<1x800xi32, #tpu.memory_space<vmem>>
    %dma_start3A_12 = tpu.memref_squeeze %dma_start3A_11 : memref<1x800xi32, #tpu.memory_space<vmem>> -> memref<800xi32, #tpu.memory_space<vmem>>
    %dma_start3A_13 = arith.constant 0 : i32
    %dma_start3A_14 = arith.constant 0 : i32
    %dma_start3A_15 = tpu.memref_slice %arg2[%dma_start3A_13, %dma_start3A_14] : memref<2000000x64xf32, #tpu.memory_space<hbm>> -> memref<2000000x64xf32, #tpu.memory_space<hbm>>
    tpu.enqueue_indirect_dma source(%dma_start3A_15 : memref<2000000x64xf32, #tpu.memory_space<hbm>>) target(%dma_start3A_9 : memref<800x64xf32, #tpu.memory_space<vmem>>) offsets(%dma_start3A_12 : memref<800xi32, #tpu.memory_space<vmem>>) semaphore(%arg7 : memref<!tpu.dma_semaphore, #tpu.memory_space<semaphore_mem>>)
    %scan3A = arith.constant 0 : i32
    %scan3A_16 = arith.constant 0 : i32
    %scan3A_17 = arith.constant 16 : i32
    %scan3A_18 = arith.addi %scan3A_16, %scan3A_17 : i32
    %scan3A_19 = arith.constant 1 : i32
    scf.for %scan3A_33 = %scan3A_16 to %scan3A_18 step %scan3A_19  : i32 {
      %mul3A_34 = arith.constant 2 : i32
      %mul3A_35 = arith.muli %scan3A_33, %mul3A_34 : i32
      %add3A_36 = arith.constant 0 : i32
      %add3A_37 = arith.addi %mul3A_35, %add3A_36 : i32
      %ge3A = arith.constant 1 : i32
      %ge3A_38 = arith.cmpi sge, %add3A_37, %ge3A : i32
      %convert_element_type3A = arith.extui %ge3A_38 : i1 to i32
      %cond3A = arith.constant 0 : i32
      %cond3A_39 = arith.cmpi ne, %convert_element_type3A, %cond3A : i32
      scf.if %cond3A_39 {
        %dma_wait3A_118 = arith.constant 1 : i32
        %dma_wait3A_119 = arith.constant 0 : i32
        %dma_wait3A_120 = arith.constant 0 : i32
        %dma_wait3A_121 = tpu.memref_slice %arg6[%dma_wait3A_118, %dma_wait3A_119, %dma_wait3A_120] : memref<2x800x64xf32, #tpu.memory_space<vmem>> -> memref<1x800x64xf32, #tpu.memory_space<vmem>>
        %dma_wait3A_122 = tpu.memref_squeeze %dma_wait3A_121 : memref<1x800x64xf32, #tpu.memory_space<vmem>> -> memref<800x64xf32, #tpu.memory_space<vmem>>
        %dma_wait3A_123 = arith.constant 0 : i32
        %dma_wait3A_124 = tpu.memref_slice %arg4[%mul3A_2, %dma_wait3A_123] : memref<819200x128xf32, #tpu.memory_space<hbm>> -> memref<800x64xf32, #tpu.memory_space<hbm>>
        %dma_wait3A_125 = arith.constant 0 : i32
        %dma_wait3A_126 = tpu.memref_slice %arg4[%mul3A_2, %dma_wait3A_125] : memref<819200x128xf32, #tpu.memory_space<hbm>> -> memref<800x64xf32, #tpu.memory_space<hbm>>
        %dma_wait3A_127 = arith.constant 0 : i32
        %dma_wait3A_128 = arith.constant 0 : i32
        %dma_wait3A_129 = tpu.memref_slice %arg6[%dma_wait3A_118, %dma_wait3A_127, %dma_wait3A_128] : memref<2x800x64xf32, #tpu.memory_space<vmem>> -> memref<1x800x64xf32, #tpu.memory_space<vmem>>
        %dma_wait3A_130 = tpu.memref_squeeze %dma_wait3A_129 : memref<1x800x64xf32, #tpu.memory_space<vmem>> -> memref<800x64xf32, #tpu.memory_space<vmem>>
        tpu.wait_dma2 semaphore(%arg8 : memref<!tpu.dma_semaphore, #tpu.memory_space<semaphore_mem>>) src(%dma_wait3A_130 : memref<800x64xf32, #tpu.memory_space<vmem>>) dst(%dma_wait3A_126 : memref<800x64xf32, #tpu.memory_space<hbm>>)
      } else {
      }
      %add3A_40 = arith.constant 1 : i32
      %add3A_41 = arith.addi %add3A_37, %add3A_40 : i32
      %lt3A = arith.constant 32 : i32
      %lt3A_42 = arith.cmpi slt, %add3A_41, %lt3A : i32
      %convert_element_type3A_43 = arith.extui %lt3A_42 : i1 to i32
      %cond3A_44 = arith.constant 0 : i32
      %cond3A_45 = arith.cmpi ne, %convert_element_type3A_43, %cond3A_44 : i32
      scf.if %cond3A_45 {
        %add3A_118 = arith.constant 1 : i32
        %add3A_119 = arith.addi %add3A_37, %add3A_118 : i32
        %mul3A_120 = arith.constant 800 : i32
        %mul3A_121 = arith.muli %add3A_119, %mul3A_120 : i32
        %add3A_122 = arith.addi %mul3A_2, %mul3A_121 : i32
        %run_scoped3A_123 = arith.constant 1 : i32
        "tpu.region"() ({
          %run_scoped3A_136 = tpu.sem_alloc : memref<!tpu.dma_semaphore, #tpu.memory_space<semaphore_mem>>
          %dma_start3A_137 = arith.constant 0 : i32
          %dma_start3A_138 = tpu.memref_slice %arg5[%run_scoped3A_123, %dma_start3A_137] : memref<2x800xi32, #tpu.memory_space<vmem>> -> memref<1x800xi32, #tpu.memory_space<vmem>>
          %dma_start3A_139 = tpu.memref_squeeze %dma_start3A_138 : memref<1x800xi32, #tpu.memory_space<vmem>> -> memref<800xi32, #tpu.memory_space<vmem>>
          %dma_start3A_140 = tpu.memref_slice %arg3[%add3A_122] : memref<819200xi32, #tpu.memory_space<hbm>> -> memref<800xi32, #tpu.memory_space<hbm>>
          %dma_start3A_141 = arith.constant 0 : i32
          %dma_start3A_142 = tpu.memref_slice %arg5[%run_scoped3A_123, %dma_start3A_141] : memref<2x800xi32, #tpu.memory_space<vmem>> -> memref<1x800xi32, #tpu.memory_space<vmem>>
          %dma_start3A_143 = tpu.memref_squeeze %dma_start3A_142 : memref<1x800xi32, #tpu.memory_space<vmem>> -> memref<800xi32, #tpu.memory_space<vmem>>
          %dma_start3A_144 = tpu.memref_slice %arg3[%add3A_122] : memref<819200xi32, #tpu.memory_space<hbm>> -> memref<800xi32, #tpu.memory_space<hbm>>
          tpu.enqueue_dma source(%dma_start3A_144 : memref<800xi32, #tpu.memory_space<hbm>>) target(%dma_start3A_143 : memref<800xi32, #tpu.memory_space<vmem>>) target_semaphore(%run_scoped3A_136 : memref<!tpu.dma_semaphore, #tpu.memory_space<semaphore_mem>>)
          %dma_wait3A_145 = arith.constant 0 : i32
          %dma_wait3A_146 = tpu.memref_slice %arg5[%run_scoped3A_123, %dma_wait3A_145] : memref<2x800xi32, #tpu.memory_space<vmem>> -> memref<1x800xi32, #tpu.memory_space<vmem>>
          %dma_wait3A_147 = tpu.memref_squeeze %dma_wait3A_146 : memref<1x800xi32, #tpu.memory_space<vmem>> -> memref<800xi32, #tpu.memory_space<vmem>>
          %dma_wait3A_148 = tpu.memref_slice %arg3[%add3A_122] : memref<819200xi32, #tpu.memory_space<hbm>> -> memref<800xi32, #tpu.memory_space<hbm>>
          %dma_wait3A_149 = arith.constant 0 : i32
          %dma_wait3A_150 = tpu.memref_slice %arg5[%run_scoped3A_123, %dma_wait3A_149] : memref<2x800xi32, #tpu.memory_space<vmem>> -> memref<1x800xi32, #tpu.memory_space<vmem>>
          %dma_wait3A_151 = tpu.memref_squeeze %dma_wait3A_150 : memref<1x800xi32, #tpu.memory_space<vmem>> -> memref<800xi32, #tpu.memory_space<vmem>>
          %dma_wait3A_152 = tpu.memref_slice %arg3[%add3A_122] : memref<819200xi32, #tpu.memory_space<hbm>> -> memref<800xi32, #tpu.memory_space<hbm>>
          tpu.wait_dma2 semaphore(%run_scoped3A_136 : memref<!tpu.dma_semaphore, #tpu.memory_space<semaphore_mem>>) src(%dma_wait3A_152 : memref<800xi32, #tpu.memory_space<hbm>>) dst(%dma_wait3A_151 : memref<800xi32, #tpu.memory_space<vmem>>)
          tpu.yield
        }) : () -> ()
        %dma_start3A_124 = arith.constant 1 : i32
        %dma_start3A_125 = arith.constant 1 : i32
        %dma_start3A_126 = arith.constant 0 : i32
        %dma_start3A_127 = arith.constant 0 : i32
        %dma_start3A_128 = tpu.memref_slice %arg6[%dma_start3A_125, %dma_start3A_126, %dma_start3A_127] : memref<2x800x64xf32, #tpu.memory_space<vmem>> -> memref<1x800x64xf32, #tpu.memory_space<vmem>>
        %dma_start3A_129 = tpu.memref_squeeze %dma_start3A_128 : memref<1x800x64xf32, #tpu.memory_space<vmem>> -> memref<800x64xf32, #tpu.memory_space<vmem>>
        %dma_start3A_130 = arith.constant 0 : i32
        %dma_start3A_131 = tpu.memref_slice %arg5[%dma_start3A_124, %dma_start3A_130] : memref<2x800xi32, #tpu.memory_space<vmem>> -> memref<1x800xi32, #tpu.memory_space<vmem>>
        %dma_start3A_132 = tpu.memref_squeeze %dma_start3A_131 : memref<1x800xi32, #tpu.memory_space<vmem>> -> memref<800xi32, #tpu.memory_space<vmem>>
        %dma_start3A_133 = arith.constant 0 : i32
        %dma_start3A_134 = arith.constant 0 : i32
        %dma_start3A_135 = tpu.memref_slice %arg2[%dma_start3A_133, %dma_start3A_134] : memref<2000000x64xf32, #tpu.memory_space<hbm>> -> memref<2000000x64xf32, #tpu.memory_space<hbm>>
        tpu.enqueue_indirect_dma source(%dma_start3A_135 : memref<2000000x64xf32, #tpu.memory_space<hbm>>) target(%dma_start3A_129 : memref<800x64xf32, #tpu.memory_space<vmem>>) offsets(%dma_start3A_132 : memref<800xi32, #tpu.memory_space<vmem>>) semaphore(%arg7 : memref<!tpu.dma_semaphore, #tpu.memory_space<semaphore_mem>>)
      } else {
      }
      %dma_wait3A_46 = arith.constant 0 : i32
      %dma_wait3A_47 = arith.constant 0 : i32
      %dma_wait3A_48 = arith.constant 0 : i32
      %dma_wait3A_49 = arith.constant 0 : i32
      %dma_wait3A_50 = tpu.memref_slice %arg6[%dma_wait3A_47, %dma_wait3A_48, %dma_wait3A_49] : memref<2x800x64xf32, #tpu.memory_space<vmem>> -> memref<1x800x64xf32, #tpu.memory_space<vmem>>
      %dma_wait3A_51 = tpu.memref_squeeze %dma_wait3A_50 : memref<1x800x64xf32, #tpu.memory_space<vmem>> -> memref<800x64xf32, #tpu.memory_space<vmem>>
      %dma_wait3A_52 = arith.constant 0 : i32
      %dma_wait3A_53 = tpu.memref_slice %arg5[%dma_wait3A_46, %dma_wait3A_52] : memref<2x800xi32, #tpu.memory_space<vmem>> -> memref<1x800xi32, #tpu.memory_space<vmem>>
      %dma_wait3A_54 = tpu.memref_squeeze %dma_wait3A_53 : memref<1x800xi32, #tpu.memory_space<vmem>> -> memref<800xi32, #tpu.memory_space<vmem>>
      %dma_wait3A_55 = arith.constant 0 : i32
      %dma_wait3A_56 = arith.constant 0 : i32
      %dma_wait3A_57 = tpu.memref_slice %arg2[%dma_wait3A_55, %dma_wait3A_56] : memref<2000000x64xf32, #tpu.memory_space<hbm>> -> memref<2000000x64xf32, #tpu.memory_space<hbm>>
      tpu.wait_indirect_dma semaphore(%arg7 : memref<!tpu.dma_semaphore, #tpu.memory_space<semaphore_mem>>) src(%dma_wait3A_57 : memref<2000000x64xf32, #tpu.memory_space<hbm>>) dst(%dma_wait3A_51 : memref<800x64xf32, #tpu.memory_space<vmem>>)
      %mul3A_58 = arith.constant 800 : i32
      %mul3A_59 = arith.muli %add3A_37, %mul3A_58 : i32
      %add3A_60 = arith.addi %mul3A_2, %mul3A_59 : i32
      %dma_start3A_61 = arith.constant 0 : i32
      %dma_start3A_62 = arith.constant 0 : i32
      %dma_start3A_63 = arith.constant 0 : i32
      %dma_start3A_64 = tpu.memref_slice %arg6[%dma_start3A_61, %dma_start3A_62, %dma_start3A_63] : memref<2x800x64xf32, #tpu.memory_space<vmem>> -> memref<1x800x64xf32, #tpu.memory_space<vmem>>
      %dma_start3A_65 = tpu.memref_squeeze %dma_start3A_64 : memref<1x800x64xf32, #tpu.memory_space<vmem>> -> memref<800x64xf32, #tpu.memory_space<vmem>>
      %dma_start3A_66 = arith.constant 0 : i32
      %dma_start3A_67 = tpu.memref_slice %arg4[%add3A_60, %dma_start3A_66] : memref<819200x128xf32, #tpu.memory_space<hbm>> -> memref<800x64xf32, #tpu.memory_space<hbm>>
      %dma_start3A_68 = arith.constant 0 : i32
      %dma_start3A_69 = tpu.memref_slice %arg4[%add3A_60, %dma_start3A_68] : memref<819200x128xf32, #tpu.memory_space<hbm>> -> memref<800x64xf32, #tpu.memory_space<hbm>>
      %dma_start3A_70 = arith.constant 0 : i32
      %dma_start3A_71 = arith.constant 0 : i32
      %dma_start3A_72 = tpu.memref_slice %arg6[%dma_start3A_61, %dma_start3A_70, %dma_start3A_71] : memref<2x800x64xf32, #tpu.memory_space<vmem>> -> memref<1x800x64xf32, #tpu.memory_space<vmem>>
      %dma_start3A_73 = tpu.memref_squeeze %dma_start3A_72 : memref<1x800x64xf32, #tpu.memory_space<vmem>> -> memref<800x64xf32, #tpu.memory_space<vmem>>
      tpu.enqueue_dma source(%dma_start3A_73 : memref<800x64xf32, #tpu.memory_space<vmem>>) target(%dma_start3A_69 : memref<800x64xf32, #tpu.memory_space<hbm>>) target_semaphore(%arg8 : memref<!tpu.dma_semaphore, #tpu.memory_space<semaphore_mem>>)
      %mul3A_74 = arith.constant 2 : i32
      %mul3A_75 = arith.muli %scan3A_33, %mul3A_74 : i32
      %add3A_76 = arith.constant 1 : i32
      %add3A_77 = arith.addi %mul3A_75, %add3A_76 : i32
      %ge3A_78 = arith.constant 1 : i32
      %ge3A_79 = arith.cmpi sge, %add3A_77, %ge3A_78 : i32
      %convert_element_type3A_80 = arith.extui %ge3A_79 : i1 to i32
      %cond3A_81 = arith.constant 0 : i32
      %cond3A_82 = arith.cmpi ne, %convert_element_type3A_80, %cond3A_81 : i32
      scf.if %cond3A_82 {
        %dma_wait3A_118 = arith.constant 0 : i32
        %dma_wait3A_119 = arith.constant 0 : i32
        %dma_wait3A_120 = arith.constant 0 : i32
        %dma_wait3A_121 = tpu.memref_slice %arg6[%dma_wait3A_118, %dma_wait3A_119, %dma_wait3A_120] : memref<2x800x64xf32, #tpu.memory_space<vmem>> -> memref<1x800x64xf32, #tpu.memory_space<vmem>>
        %dma_wait3A_122 = tpu.memref_squeeze %dma_wait3A_121 : memref<1x800x64xf32, #tpu.memory_space<vmem>> -> memref<800x64xf32, #tpu.memory_space<vmem>>
        %dma_wait3A_123 = arith.constant 0 : i32
        %dma_wait3A_124 = tpu.memref_slice %arg4[%mul3A_2, %dma_wait3A_123] : memref<819200x128xf32, #tpu.memory_space<hbm>> -> memref<800x64xf32, #tpu.memory_space<hbm>>
        %dma_wait3A_125 = arith.constant 0 : i32
        %dma_wait3A_126 = tpu.memref_slice %arg4[%mul3A_2, %dma_wait3A_125] : memref<819200x128xf32, #tpu.memory_space<hbm>> -> memref<800x64xf32, #tpu.memory_space<hbm>>
        %dma_wait3A_127 = arith.constant 0 : i32
        %dma_wait3A_128 = arith.constant 0 : i32
        %dma_wait3A_129 = tpu.memref_slice %arg6[%dma_wait3A_118, %dma_wait3A_127, %dma_wait3A_128] : memref<2x800x64xf32, #tpu.memory_space<vmem>> -> memref<1x800x64xf32, #tpu.memory_space<vmem>>
        %dma_wait3A_130 = tpu.memref_squeeze %dma_wait3A_129 : memref<1x800x64xf32, #tpu.memory_space<vmem>> -> memref<800x64xf32, #tpu.memory_space<vmem>>
        tpu.wait_dma2 semaphore(%arg8 : memref<!tpu.dma_semaphore, #tpu.memory_space<semaphore_mem>>) src(%dma_wait3A_130 : memref<800x64xf32, #tpu.memory_space<vmem>>) dst(%dma_wait3A_126 : memref<800x64xf32, #tpu.memory_space<hbm>>)
      } else {
      }
      %add3A_83 = arith.constant 1 : i32
      %add3A_84 = arith.addi %add3A_77, %add3A_83 : i32
      %lt3A_85 = arith.constant 32 : i32
      %lt3A_86 = arith.cmpi slt, %add3A_84, %lt3A_85 : i32
      %convert_element_type3A_87 = arith.extui %lt3A_86 : i1 to i32
      %cond3A_88 = arith.constant 0 : i32
      %cond3A_89 = arith.cmpi ne, %convert_element_type3A_87, %cond3A_88 : i32
      scf.if %cond3A_89 {
        %add3A_118 = arith.constant 1 : i32
        %add3A_119 = arith.addi %add3A_77, %add3A_118 : i32
        %mul3A_120 = arith.constant 800 : i32
        %mul3A_121 = arith.muli %add3A_119, %mul3A_120 : i32
        %add3A_122 = arith.addi %mul3A_2, %mul3A_121 : i32
        %run_scoped3A_123 = arith.constant 0 : i32
        "tpu.region"() ({
          %run_scoped3A_136 = tpu.sem_alloc : memref<!tpu.dma_semaphore, #tpu.memory_space<semaphore_mem>>
          %dma_start3A_137 = arith.constant 0 : i32
          %dma_start3A_138 = tpu.memref_slice %arg5[%run_scoped3A_123, %dma_start3A_137] : memref<2x800xi32, #tpu.memory_space<vmem>> -> memref<1x800xi32, #tpu.memory_space<vmem>>
          %dma_start3A_139 = tpu.memref_squeeze %dma_start3A_138 : memref<1x800xi32, #tpu.memory_space<vmem>> -> memref<800xi32, #tpu.memory_space<vmem>>
          %dma_start3A_140 = tpu.memref_slice %arg3[%add3A_122] : memref<819200xi32, #tpu.memory_space<hbm>> -> memref<800xi32, #tpu.memory_space<hbm>>
          %dma_start3A_141 = arith.constant 0 : i32
          %dma_start3A_142 = tpu.memref_slice %arg5[%run_scoped3A_123, %dma_start3A_141] : memref<2x800xi32, #tpu.memory_space<vmem>> -> memref<1x800xi32, #tpu.memory_space<vmem>>
          %dma_start3A_143 = tpu.memref_squeeze %dma_start3A_142 : memref<1x800xi32, #tpu.memory_space<vmem>> -> memref<800xi32, #tpu.memory_space<vmem>>
          %dma_start3A_144 = tpu.memref_slice %arg3[%add3A_122] : memref<819200xi32, #tpu.memory_space<hbm>> -> memref<800xi32, #tpu.memory_space<hbm>>
          tpu.enqueue_dma source(%dma_start3A_144 : memref<800xi32, #tpu.memory_space<hbm>>) target(%dma_start3A_143 : memref<800xi32, #tpu.memory_space<vmem>>) target_semaphore(%run_scoped3A_136 : memref<!tpu.dma_semaphore, #tpu.memory_space<semaphore_mem>>)
          %dma_wait3A_145 = arith.constant 0 : i32
          %dma_wait3A_146 = tpu.memref_slice %arg5[%run_scoped3A_123, %dma_wait3A_145] : memref<2x800xi32, #tpu.memory_space<vmem>> -> memref<1x800xi32, #tpu.memory_space<vmem>>
          %dma_wait3A_147 = tpu.memref_squeeze %dma_wait3A_146 : memref<1x800xi32, #tpu.memory_space<vmem>> -> memref<800xi32, #tpu.memory_space<vmem>>
          %dma_wait3A_148 = tpu.memref_slice %arg3[%add3A_122] : memref<819200xi32, #tpu.memory_space<hbm>> -> memref<800xi32, #tpu.memory_space<hbm>>
          %dma_wait3A_149 = arith.constant 0 : i32
          %dma_wait3A_150 = tpu.memref_slice %arg5[%run_scoped3A_123, %dma_wait3A_149] : memref<2x800xi32, #tpu.memory_space<vmem>> -> memref<1x800xi32, #tpu.memory_space<vmem>>
          %dma_wait3A_151 = tpu.memref_squeeze %dma_wait3A_150 : memref<1x800xi32, #tpu.memory_space<vmem>> -> memref<800xi32, #tpu.memory_space<vmem>>
          %dma_wait3A_152 = tpu.memref_slice %arg3[%add3A_122] : memref<819200xi32, #tpu.memory_space<hbm>> -> memref<800xi32, #tpu.memory_space<hbm>>
          tpu.wait_dma2 semaphore(%run_scoped3A_136 : memref<!tpu.dma_semaphore, #tpu.memory_space<semaphore_mem>>) src(%dma_wait3A_152 : memref<800xi32, #tpu.memory_space<hbm>>) dst(%dma_wait3A_151 : memref<800xi32, #tpu.memory_space<vmem>>)
          tpu.yield
        }) : () -> ()
        %dma_start3A_124 = arith.constant 0 : i32
        %dma_start3A_125 = arith.constant 0 : i32
        %dma_start3A_126 = arith.constant 0 : i32
        %dma_start3A_127 = arith.constant 0 : i32
        %dma_start3A_128 = tpu.memref_slice %arg6[%dma_start3A_125, %dma_start3A_126, %dma_start3A_127] : memref<2x800x64xf32, #tpu.memory_space<vmem>> -> memref<1x800x64xf32, #tpu.memory_space<vmem>>
        %dma_start3A_129 = tpu.memref_squeeze %dma_start3A_128 : memref<1x800x64xf32, #tpu.memory_space<vmem>> -> memref<800x64xf32, #tpu.memory_space<vmem>>
        %dma_start3A_130 = arith.constant 0 : i32
        %dma_start3A_131 = tpu.memref_slice %arg5[%dma_start3A_124, %dma_start3A_130] : memref<2x800xi32, #tpu.memory_space<vmem>> -> memref<1x800xi32, #tpu.memory_space<vmem>>
        %dma_start3A_132 = tpu.memref_squeeze %dma_start3A_131 : memref<1x800xi32, #tpu.memory_space<vmem>> -> memref<800xi32, #tpu.memory_space<vmem>>
        %dma_start3A_133 = arith.constant 0 : i32
        %dma_start3A_134 = arith.constant 0 : i32
        %dma_start3A_135 = tpu.memref_slice %arg2[%dma_start3A_133, %dma_start3A_134] : memref<2000000x64xf32, #tpu.memory_space<hbm>> -> memref<2000000x64xf32, #tpu.memory_space<hbm>>
        tpu.enqueue_indirect_dma source(%dma_start3A_135 : memref<2000000x64xf32, #tpu.memory_space<hbm>>) target(%dma_start3A_129 : memref<800x64xf32, #tpu.memory_space<vmem>>) offsets(%dma_start3A_132 : memref<800xi32, #tpu.memory_space<vmem>>) semaphore(%arg7 : memref<!tpu.dma_semaphore, #tpu.memory_space<semaphore_mem>>)
      } else {
      }
      %dma_wait3A_90 = arith.constant 1 : i32
      %dma_wait3A_91 = arith.constant 1 : i32
      %dma_wait3A_92 = arith.constant 0 : i32
      %dma_wait3A_93 = arith.constant 0 : i32
      %dma_wait3A_94 = tpu.memref_slice %arg6[%dma_wait3A_91, %dma_wait3A_92, %dma_wait3A_93] : memref<2x800x64xf32, #tpu.memory_space<vmem>> -> memref<1x800x64xf32, #tpu.memory_space<vmem>>
      %dma_wait3A_95 = tpu.memref_squeeze %dma_wait3A_94 : memref<1x800x64xf32, #tpu.memory_space<vmem>> -> memref<800x64xf32, #tpu.memory_space<vmem>>
      %dma_wait3A_96 = arith.constant 0 : i32
      %dma_wait3A_97 = tpu.memref_slice %arg5[%dma_wait3A_90, %dma_wait3A_96] : memref<2x800xi32, #tpu.memory_space<vmem>> -> memref<1x800xi32, #tpu.memory_space<vmem>>
      %dma_wait3A_98 = tpu.memref_squeeze %dma_wait3A_97 : memref<1x800xi32, #tpu.memory_space<vmem>> -> memref<800xi32, #tpu.memory_space<vmem>>
      %dma_wait3A_99 = arith.constant 0 : i32
      %dma_wait3A_100 = arith.constant 0 : i32
      %dma_wait3A_101 = tpu.memref_slice %arg2[%dma_wait3A_99, %dma_wait3A_100] : memref<2000000x64xf32, #tpu.memory_space<hbm>> -> memref<2000000x64xf32, #tpu.memory_space<hbm>>
      tpu.wait_indirect_dma semaphore(%arg7 : memref<!tpu.dma_semaphore, #tpu.memory_space<semaphore_mem>>) src(%dma_wait3A_101 : memref<2000000x64xf32, #tpu.memory_space<hbm>>) dst(%dma_wait3A_95 : memref<800x64xf32, #tpu.memory_space<vmem>>)
      %mul3A_102 = arith.constant 800 : i32
      %mul3A_103 = arith.muli %add3A_77, %mul3A_102 : i32
      %add3A_104 = arith.addi %mul3A_2, %mul3A_103 : i32
      %dma_start3A_105 = arith.constant 1 : i32
      %dma_start3A_106 = arith.constant 0 : i32
      %dma_start3A_107 = arith.constant 0 : i32
      %dma_start3A_108 = tpu.memref_slice %arg6[%dma_start3A_105, %dma_start3A_106, %dma_start3A_107] : memref<2x800x64xf32, #tpu.memory_space<vmem>> -> memref<1x800x64xf32, #tpu.memory_space<vmem>>
      %dma_start3A_109 = tpu.memref_squeeze %dma_start3A_108 : memref<1x800x64xf32, #tpu.memory_space<vmem>> -> memref<800x64xf32, #tpu.memory_space<vmem>>
      %dma_start3A_110 = arith.constant 0 : i32
      %dma_start3A_111 = tpu.memref_slice %arg4[%add3A_104, %dma_start3A_110] : memref<819200x128xf32, #tpu.memory_space<hbm>> -> memref<800x64xf32, #tpu.memory_space<hbm>>
      %dma_start3A_112 = arith.constant 0 : i32
      %dma_start3A_113 = tpu.memref_slice %arg4[%add3A_104, %dma_start3A_112] : memref<819200x128xf32, #tpu.memory_space<hbm>> -> memref<800x64xf32, #tpu.memory_space<hbm>>
      %dma_start3A_114 = arith.constant 0 : i32
      %dma_start3A_115 = arith.constant 0 : i32
      %dma_start3A_116 = tpu.memref_slice %arg6[%dma_start3A_105, %dma_start3A_114, %dma_start3A_115] : memref<2x800x64xf32, #tpu.memory_space<vmem>> -> memref<1x800x64xf32, #tpu.memory_space<vmem>>
      %dma_start3A_117 = tpu.memref_squeeze %dma_start3A_116 : memref<1x800x64xf32, #tpu.memory_space<vmem>> -> memref<800x64xf32, #tpu.memory_space<vmem>>
      tpu.enqueue_dma source(%dma_start3A_117 : memref<800x64xf32, #tpu.memory_space<vmem>>) target(%dma_start3A_113 : memref<800x64xf32, #tpu.memory_space<hbm>>) target_semaphore(%arg8 : memref<!tpu.dma_semaphore, #tpu.memory_space<semaphore_mem>>)
    }
    %scan3A_20 = arith.constant 16 : i32
    %dma_wait3A = arith.constant 1 : i32
    %dma_wait3A_21 = arith.constant 0 : i32
    %dma_wait3A_22 = arith.constant 0 : i32
    %dma_wait3A_23 = tpu.memref_slice %arg6[%dma_wait3A, %dma_wait3A_21, %dma_wait3A_22] : memref<2x800x64xf32, #tpu.memory_space<vmem>> -> memref<1x800x64xf32, #tpu.memory_space<vmem>>
    %dma_wait3A_24 = tpu.memref_squeeze %dma_wait3A_23 : memref<1x800x64xf32, #tpu.memory_space<vmem>> -> memref<800x64xf32, #tpu.memory_space<vmem>>
    %dma_wait3A_25 = arith.constant 0 : i32
    %dma_wait3A_26 = tpu.memref_slice %arg4[%mul3A_2, %dma_wait3A_25] : memref<819200x128xf32, #tpu.memory_space<hbm>> -> memref<800x64xf32, #tpu.memory_space<hbm>>
    %dma_wait3A_27 = arith.constant 0 : i32
    %dma_wait3A_28 = tpu.memref_slice %arg4[%mul3A_2, %dma_wait3A_27] : memref<819200x128xf32, #tpu.memory_space<hbm>> -> memref<800x64xf32, #tpu.memory_space<hbm>>
    %dma_wait3A_29 = arith.constant 0 : i32
    %dma_wait3A_30 = arith.constant 0 : i32
    %dma_wait3A_31 = tpu.memref_slice %arg6[%dma_wait3A, %dma_wait3A_29, %dma_wait3A_30] : memref<2x800x64xf32, #tpu.memory_space<vmem>> -> memref<1x800x64xf32, #tpu.memory_space<vmem>>
    %dma_wait3A_32 = tpu.memref_squeeze %dma_wait3A_31 : memref<1x800x64xf32, #tpu.memory_space<vmem>> -> memref<800x64xf32, #tpu.memory_space<vmem>>
    tpu.wait_dma2 semaphore(%arg8 : memref<!tpu.dma_semaphore, #tpu.memory_space<semaphore_mem>>) src(%dma_wait3A_32 : memref<800x64xf32, #tpu.memory_space<vmem>>) dst(%dma_wait3A_28 : memref<800x64xf32, #tpu.memory_space<hbm>>)
    return
  }
}

</mosaic_0001>

<sc_bundles>
// kernel: _embed.3.cloned.1.call-start
scs
__scs_entry_jumppad:
0x0: {  	(pc) =	sbr.rel $0x88, $3  }
0x1: {  	(tag) =	ssettag $0x0;
	lr =	simm.s32 $0x1  }
0x2: {  	[smem:$0x3F9F] =	sst lr;
	_ =	strace $0xD0000000  }
0x3: {  	_ = 	snop  }
0x4: {  	_ = 	snop  }
0x5: {  	_ = 	snop  }
0x6: {  	_ = 	snop  }
0x7: {  	_ = 	snop  }
__scs_overlays_trampoline_lowered:
0x8: {  	[smem:$0x3FAE] =	sst s0  }
0x9: {  	[smem:$0x3FAF] =	sst s1  }
0xa: {  	[smem:$0x3FB0] =	sst s2  }
0xb: {  	[smem:$0x3FB1] =	sst s3  }
0xc: {  	[smem:$0x3FB2] =	sst s4  }
0xd: {  	[smem:$0x3FB3] =	sst s5  }
0xe: {  	[smem:$0x3FB4] =	sst s6  }
0xf: {  	[smem:$0x3FB5] =	sst s7  }
0x10: {  	[smem:$0x3FB6] =	sst s8  }
0x11: {  	[smem:$0x3FB7] =	sst s9;
	s0 =	simm.s32 @!p0 $0x0  }
0x12: {  	s1 =	sld [smem:$0x3F9D];
	s0 =	simm.s32 @p0 $0x1  }
0x13: {  	[smem:$0x3FB8] =	sst s0;
	s0 =	simm.s32 @!p1 $0x0  }
0x14: {  	s2 =	sld [smem:$0x3F9C];
	s0 =	simm.s32 @p1 $0x1  }
0x15: {  	[smem:$0x3FB9] =	sst s0;
	s0 =	simm.s32 @!p2 $0x0  }
0x16: {  	s3 =	sld [smem:$0x3FDB];
	s0 =	simm.s32 @p2 $0x1  }
0x17: {  	s4 =	simm.s32 $0x1BF5;
	[smem:$0x3FBB] =	sst s0  }
0x18: {  	s0 =	sld [smem:$0x3F9E];
	_ =	swait.ge [sflag:s4], $0x0  }
0x19: {  	s7 =	sld [smem:$0x3F9F]  }
0x1a: {  	s8 =	sadd.s32 $0xFFFFE003, lr  }
0x1b: {  	s9 =	sadd.s32 $0xFFFFFEF7, lr;
	s5 =	simm.s32 $0xFFFFFFFF;
	p2 =	slt.u32 s8, $0xFFFFF086  }
0x1c: {  	p1 =	slt.u32 s9, $0xF7A;
	s5 =	simm.s32 @!p2 $0x0  }
0x1d: {  	s5 =	simm.s32 @p1 $0x1;
	p0 =	seq.s32 s7, s2  }
0x1e: {  	s7 =	smul.u32 @!p0 $0xF7A, s2;
	p2 =	seq.s32 @!p0 s5, $0x0  }
0x1f: {  	s9 =	smul.u32 $0xF7A, s1;
	s8 =	simm.s32 @!p0 $0x1BF5;
	p2 =	por !p2, p0  }
0x20: {  	[sflag:s8] =	ssyncset.s32 @!p0 $0xFFFFF086;
	s6 =	sadd.s32 @!p0 s3, s7;
	s7 =	simm.s32 @!p0 $0x108  }
0x21: {  	s3 =	sadd.s32 s3, s9;
	s6 =	sadd.s32 @!p0 $0x88, s6;
	s7 =	simm.s32 @p2 $0x1082  }
0x22: {  	[simem:s7], [sflag:s8] =	dma.local @!p0 [hbm:s6], $0xF7A  }
0x23: {  	s9 =	sor.u32 $0xD0000000, s2;
	s6 =	simm.s32 $0x108;
	_ =	swait.ge @!p0 [sflag:s8], $0x0  }
0x24: {  	s3 =	sadd.s32 $0x88, s3;
	s6 =	simm.s32 @!p1 $0x1082;
	[sflag:s4] =	ssyncset.s32 $0xFFFFF086  }
0x25: {  	[simem:s6], [sflag:s4] =	dma.local [hbm:s3], $0xF7A  }
0x26: {  	[smem:$0x3F9F] =	sst s1;
	(tag) =	ssettag s2;
	_ =	strace s9  }
0x27: {  	s1 =	sld [smem:$0x3FAF]  }
0x28: {  	s2 =	sld [smem:$0x3FB0]  }
0x29: {  	s4 =	sld [smem:$0x3FB2]  }
0x2a: {  	p0 =	seq.s32 s5, $0x0;
	s5 =	sld [smem:$0x3FB3]  }
0x2b: {  	s6 =	sld [smem:$0x3FB4]  }
0x2c: {  	s7 =	sld [smem:$0x3FB5]  }
0x2d: {  	s3 =	simm.s32 $0x108;
	s8 =	sld [smem:$0x3FB6]  }
0x2e: {  	s3 =	simm.s32 @!p0 $0x1082;
	s9 =	sld [smem:$0x3FB7]  }
0x2f: {  	lr =	sadd.s32 s0, s3;
	s0 =	sld [smem:$0x3FAE]  }
0x30: {  	s3 =	sld [smem:$0x3FB1]  }
0x31: {  	[smem:$0x3FBA] =	sst s10  }
0x32: {  	s10 =	sld [smem:$0x3FB8];
	_ =	sdelay $0x3  }
0x33: {  	p0 =	seq.s32 s10, $0x1;
	s10 =	sld [smem:$0x3FBA];
	_ =	sdelay $0x3  }
0x34: {  	[smem:$0x3FBA] =	sst s10  }
0x35: {  	s10 =	sld [smem:$0x3FB9];
	_ =	sdelay $0x3  }
0x36: {  	p1 =	seq.s32 s10, $0x1;
	s10 =	sld [smem:$0x3FBA];
	_ =	sdelay $0x3  }
0x37: {  	[smem:$0x3FBA] =	sst s10  }
0x38: {  	s10 =	sld [smem:$0x3FBB]  }
0x39: {  	_ = 	snop;
	(pc) =	sbr.ind lr, $3  }
0x3a: {  	_ = 	snop  }
0x3b: {  	_ = 	snop  }
0x3c: {  	p2 =	seq.s32 s10, $0x1;
	s10 =	sld [smem:$0x3FBA]  }
0x3d: {  	_ =	shalt  }
0x3e: {  	_ =	shalt  }
0x3f: {  	_ =	shalt  }
0x40: {  	_ =	shalt  }
0x41: {  	_ =	shalt  }
0x42: {  	_ =	shalt  }
0x43: {  	_ =	shalt  }
0x44: {  	_ =	shalt  }
0x45: {  	_ =	shalt  }
0x46: {  	_ =	shalt  }
0x47: {  	_ =	shalt  }
0x48: {  	_ =	shalt  }
0x49: {  	_ =	shalt  }
0x4a: {  	_ =	shalt  }
0x4b: {  	_ =	shalt  }
0x4c: {  	_ =	shalt  }
0x4d: {  	_ =	shalt  }
0x4e: {  	_ =	shalt  }
0x4f: {  	_ =	shalt  }
0x50: {  	_ =	shalt  }
0x51: {  	_ =	shalt  }
0x52: {  	_ =	shalt  }
0x53: {  	_ =	shalt  }
0x54: {  	_ =	shalt  }
0x55: {  	_ =	shalt  }
0x56: {  	_ =	shalt  }
0x57: {  	_ =	shalt  }
0x58: {  	_ =	shalt  }
0x59: {  	_ =	shalt  }
0x5a: {  	_ =	shalt  }
0x5b: {  	_ =	shalt  }
0x5c: {  	_ =	shalt  }
0x5d: {  	_ =	shalt  }
0x5e: {  	_ =	shalt  }
0x5f: {  	_ =	shalt  }
0x60: {  	_ =	shalt  }
0x61: {  	_ =	shalt  }
0x62: {  	_ =	shalt  }
0x63: {  	_ =	shalt  }
0x64: {  	_ =	shalt  }
0x65: {  	_ =	shalt  }
0x66: {  	_ =	shalt  }
0x67: {  	_ =	shalt  }
0x68: {  	_ =	shalt  }
0x69: {  	_ =	shalt  }
0x6a: {  	_ =	shalt  }
0x6b: {  	_ =	shalt  }
0x6c: {  	_ =	shalt  }
0x6d: {  	_ =	shalt  }
0x6e: {  	_ =	shalt  }
0x6f: {  	_ =	shalt  }
0x70: {  	_ =	shalt  }
0x71: {  	_ =	shalt  }
0x72: {  	_ =	shalt  }
0x73: {  	_ =	shalt  }
0x74: {  	_ =	shalt  }
0x75: {  	_ =	shalt  }
0x76: {  	_ =	shalt  }
0x77: {  	_ =	shalt  }
0x78: {  	_ =	shalt  }
0x79: {  	_ =	shalt  }
0x7a: {  	_ =	shalt  }
0x7b: {  	_ =	shalt  }
0x7c: {  	_ =	shalt  }
0x7d: {  	_ =	shalt  }
0x7e: {  	_ =	shalt  }
0x7f: {  	_ =	shalt  }
0x80: {  	_ =	shalt  }
0x81: {  	_ =	shalt  }
0x82: {  	_ =	shalt  }
0x83: {  	_ =	shalt  }
0x84: {  	_ =	shalt  }
0x85: {  	_ =	shalt  }
0x86: {  	_ =	shalt  }
0x87: {  	_ =	shalt  }
.Lfunc_end0:
.L_simem_size_0:
called_computation_lowered:
.L_overlay_start_0:
0x88: {  	s2 =	sld [smem:$0x3FD9]  }
0x89: {  	s3 =	sld [smem:$0x3FFE];
	_ =	sdelay $0x1  }
0x8a: {  	s1 =	srdreg.scid  }
0x8b: {  	s0 =	sand.u32 $0x1, s1  }
0x8c: {  	s17 =	sshll.u32 s0, $0xA;
	s2 =	sadd.s32 s3, s2  }
0x8d: {  	s2 =	sadd.s32 s2, s17  }
0x8e: {  	[smem:$0x3FC6] =	sst s2  }
0x8f: {  	_ = 	snop  }
0x90: {  	s2 =	sld [smem:$0x3FC9]  }
0x91: {  	s18 =	sld [smem:$0x3FD0];
	(tm) =	ssettm $0x1  }
0x92: {  	s4 =	sld [smem:$0x3FFB];
	_ =	sdelay $0x3  }
0x93: {  	_ =	strace s4  }
0x94: {  	s4 =	sld [smem:$0x3FFC];
	_ =	sdelay $0x3  }
0x95: {  	_ =	strace s4  }
0x96: {  	s4 =	sld [smem:$0x3FFD];
	_ =	sdelay $0x3  }
0x97: {  	_ =	strace s4  }
0x98: {  	_ =	strace $0x8FFFFFFF  }
0x99: {  	s19 =	sld [smem:$0x3FDB];
	_ =	sdelay $0x1  }
0x9a: {  	s5 =	simm.s32 $_scs_section_size  }
0x9b: {  	s6 =	simm.s32 $_size__tile_overlayer_lowered;
	s7 =	simm.s32 $_tile_overlayer_lowered  }
0x9c: {  	s22 =	simm.s32 $0x1BFF;
	s21 =	sshll.u32 s7, $0x1;
	s4 =	sadd.s32 s5, s19  }
0x9d: {  	s8 =	simm.s32 $0x0;
	s20 =	sshll.u32 s6, $0x1;
	s6 =	sadd.s32 s21, s4  }
0x9e: {  	[timem:s8], [sflag:s22] =	dma.local [hbm:s6], s20  }
0x9f: {  	_ =	swait.ge [sflag:s22], s20  }
0xa0: {  	s5 =	ssub.s32 $0x0, s20;
	[sflag:s22] =	ssyncset.done $0x0  }
0xa1: {  	[sflag:s22] =	ssyncadd.s32 s5;
	_ =	sdelay $0x1  }
0xa2: {  	s23 =	simm.s32 $0x1B8B  }
0xa3: {  	_ =	swait.ge [sflag:s23], $0x1  }
0xa4: {  	[sflag:s23] =	ssyncset.done $0x0  }
0xa5: {  	s25 =	simm.s32 $0x1B8E;
	s24 =	sld [smem:$0x3FFE];
	[sflag:s23] =	ssyncadd.s32 $0xFFFFFFFF  }
0xa6: {  	s26 =	simm.s32 $execute0_lowered;
	[smem:$0x3FD2] =	sst s25  }
0xa7: {  	s6 =	sshll.u32 s26, $0x1;
	_ =	strace $0x80000046;
	[dreg:$0x1] =	wrdreg $0xFFFFFFFF  }
0xa8: {  	s28 =	simm.s32 $_size_execute0_lowered;
	s4 =	sadd.s32 s4, s6;
	[dreg:$0x0] =	wrdreg $0x0  }
0xa9: {  	s6 =	sshll.u32 s28, $0x1;
	[dreg:$0x2] =	wrdreg s4  }
0xaa: {  	[dreg:$0x3] =	wrdreg s6  }
0xab: {  	[dreg:$0x4] =	wrdreg $0xC0  }
0xac: {  	_ =	task [dreg:s8], $0x5FFFF  }
0xad: {  	[dreg:$0x1] =	wrdreg $0xFFFFFFFF  }
0xae: {  	[dreg:$0x0] =	wrdreg $0x60  }
0xaf: {  	[dreg:$0x2] =	wrdreg s24  }
0xb0: {  	[dreg:$0x3] =	wrdreg s2  }
0xb1: {  	[dreg:$0x4] =	wrdreg s18  }
0xb2: {  	[dreg:$0x5] =	wrdreg $0x9  }
0xb3: {  	_ =	task.clear_ibuf [dreg:s8], $0x6FFFF;
	_ =	strace $0x90000046  }
0xb4: {  	s29 =	simm.s32 $0x9;
	_ =	strace $0x80000048  }
0xb5: {  	_ =	swait.ge [sflag:s29], $0x1  }
0xb6: {  	[sflag:s29] =	ssyncadd.s32 $0xFFFFFFFF  }
0xb7: {  	_ =	strace $0x90000048  }
0xb8: {  	_ =	sfence  }
0xb9: {  	s30 =	sld [smem:$0x0];
	_ =	sdelay $0x2  }
0xba: {  	s31 =	sshll.u32 s1, $0xD;
	s1 =	sshrl.u32 s1, $0x2  }
0xbb: {  	s3 =	sand.u32 $0x4000, s31;
	s1 =	sadd.s32 s1, s30  }
0xbc: {  	s0 =	sor.u32 s3, s0;
	s1 =	sshll.u32 s1, $0x11  }
0xbd: {  	s0 =	sor.u32 s1, s0  }
0xbe: {  	s0 =	sadd.s32 $0x8F2B, s0  }
0xbf: {  	[sflag:s0] =	ssyncadd.remote.s32 $0x1  }
0xc0: {  	_ =	sfence.sel $0xFFFF  }
0xc1: {  	[dreg:$0x0] =	wrdreg $0xFFFFFFFF;
	(pc) =	sbr.abs _section_cstart, $3  }
0xc2: {  	[dreg:$0x1] =	wrdreg $0xFFFFFFFF  }
0xc3: {  	_ =	task.clear_ibuf [dreg:s8], $0x2FFFF;
	_ =	strace $0x9FFFFFFF  }
0xc4: {  	(tm) =	ssettm $0x7FFFFFFF  }
0xc5: {  	_ =	shalt  }
tec
execute0_lowered:
.L_overlay_start_1:
0x0: {  	(tag) =	ssettag $0x1  }
0x1: {  	s1 =	rddreg [dreg:$0x0]  }
0x2: {  	s16 =	rddreg [dreg:$0x1];
	s3 =	srdreg.scid  }
0x3: {  	s0 =	stileid.u32;
	s2 =	rddreg [dreg:$0x2];
	s19 =	simm.s32 $0x320  }
0x4: {  	s20 =	simm.s32 $0x640;
	s21 =	simm.s32 $0xCE40;
	s12 =	smul.u32 $0xC800, s0  }
0x5: {  	s22 =	simm.s32 $0x1;
	s11 =	sand.u32 $0x1, s3;
	s28 =	smul.u32 $0xC8000, s0  }
0x6: {  	s4 =	sshll.u32 s0, $0x1;
	s3 =	simm.s32 $0x0;
	s13 =	smul.u32 $0x6400, s11  }
0x7: {  	s5 =	sor.u32 s11, s4;
	[smem:$0x7FF] =	sst s3;
	s30 =	smul.u32 $0x64000, s11  }
0x8: {  	s6 =	ssub.s32 $0x2, s11;
	s4 =	sadd.s32 $0x1E84C00, s1;
	s7 =	smul.u32 $0x6400, s5  }
0x9: {  	_ =	strace $0x80000047;
	s23 =	sshrl.u32 s6, $0x1;
	s8 =	smul.u32 $0x64000, s5  }
0xa: {  	s14 =	sadd.s32 s28, s2;
	s1 =	ssub.s32 s6, s23;
	s15 =	sadd.s32 s13, s12  }
0xb: {  	s14 =	sadd.s32 s30, s14;
	s23 =	simm.s32 $0x40;
	s24 =	sshrl.u32 s7, $0x3  }
0xc: {  	s10 =	sor.u32 $0x320, s7;
	s6 =	smax.u32 s1, $0x1;
	s8 =	sadd.s32 s2, s8  }
0xd: {  	s29 =	sadd.s32 $0xFA0, s15;
	s12 =	sadd.s32 $0x960, s15;
	s14 =	sadd.s32 $0x6400, s14  }
0xe: {  	s31 =	sadd.s32 $0xC80, s15;
	s5 =	sadd.s32 s16, s24;
	s25 =	sshrl.u32 s10, $0x3  }
0xf: {  	s26 =	sshll.u32 s10, $0x4;
	s11 =	sadd.s32 $0x5DC00, s8;
	s1 =	sshrl.u32 s29, $0x3  }
0x10: {  	s17 =	sshll.u32 s12, $0x4;
	s18 =	sshrl.u32 s12, $0x3;
	s24 =	simm.s32 $0x80  }
0x11: {  	s7 =	sadd.s32 s16, s25;
	s9 =	sadd.s32 $0xC8, s5;
	s1 =	sadd.s32 s1, s16  }
0x12: {  	s10 =	sadd.s32 s2, s26;
	s13 =	sadd.s32 $0xFFFFFF38, s1;
	s1 =	sshrl.u32 s31, $0x3  }
0x13: {  	s25 =	simm.s32 $0x2;
	s26 =	simm.s32 $0x0;
	s15 =	sadd.s32 s1, s16  }
0x14: {  	s1 =	sadd.s32 s17, s2;
	s17 =	sadd.s32 s18, s16;
	s18 =	simm.s32 $0x3  }
.LBB2_1:
0x15: {  	[tilespmem:s3], [sflag:$0x3] =	stream.linear.gather [hbm4b:s5+s3], $0x320, $0x38;
	[tilespmem:$0x19640] =	vst v63  }
0x16: {  	_ =	swait.ge [sflag:s18], $0x320  }
0x17: {  	[sflag:s18] =	ssyncset.done $0x0  }
0x18: {  	[sflag:s18] =	ssyncadd.s32 $0xFFFFFCE0  }
0x19: {  	[tilespmem:s20], [sflag:$0x1] =	stream.indirect.gather [hbm4b:s4+s19], $0x40, s3, s19, $0xb8;
	[tilespmem:$0x19640] =	vst v63  }
0x1a: {  	_ = 	snop  }
0x1b: {  	[tilespmem:s19], [sflag:$0x3] =	stream.linear.gather [hbm4b:s7+s3], $0x320, $0x38;
	[tilespmem:$0x19640] =	vst v63  }
0x1c: {  	_ =	swait.ge [sflag:s18], $0x320  }
0x1d: {  	[sflag:s18] =	ssyncset.done $0x0  }
0x1e: {  	[sflag:s18] =	ssyncadd.s32 $0xFFFFFCE0  }
0x1f: {  	[tilespmem:s21], [sflag:$0x1] =	stream.indirect.gather [hbm4b:s4+s19], $0x40, s19, s19, $0xb8;
	[tilespmem:$0x19640] =	vst v63  }
0x20: {  	_ =	swait.ge [sflag:s22], $0xC800  }
0x21: {  	[sflag:s22] =	ssyncset.done $0x0  }
0x22: {  	[sflag:s22] =	ssyncadd.s32 $0xFFFF3800  }
0x23: {  	[hbm4b:s8+s23] =	stream.strided.scatter [tilespmem:s20], [sflag:$0x2], $0xC800, s24, s23, $0x38;
	[tilespmem:$0x19640] =	vst v63  }
0x24: {  	_ =	swait.ge [sflag:s25], $0xC800  }
0x25: {  	[sflag:s25] =	ssyncset.done $0x0  }
0x26: {  	[sflag:s25] =	ssyncadd.s32 $0xFFFF3800  }
0x27: {  	[tilespmem:s3], [sflag:$0x3] =	stream.linear.gather [hbm4b:s9+s3], $0x320, $0x38;
	[tilespmem:$0x19640] =	vst v63  }
0x28: {  	_ =	swait.ge [sflag:s18], $0x320  }
0x29: {  	[sflag:s18] =	ssyncset.done $0x0  }
0x2a: {  	[sflag:s18] =	ssyncadd.s32 $0xFFFFFCE0  }
0x2b: {  	[tilespmem:s20], [sflag:$0x1] =	stream.indirect.gather [hbm4b:s4+s19], $0x40, s3, s19, $0xb8;
	[tilespmem:$0x19640] =	vst v63  }
0x2c: {  	_ =	swait.ge [sflag:s22], $0xC800  }
0x2d: {  	[sflag:s22] =	ssyncset.done $0x0  }
0x2e: {  	[sflag:s22] =	ssyncadd.s32 $0xFFFF3800  }
0x2f: {  	[hbm4b:s10+s23] =	stream.strided.scatter [tilespmem:s21], [sflag:$0x2], $0xC800, s24, s23, $0x38;
	[tilespmem:$0x19640] =	vst v63  }
0x30: {  	_ =	swait.ge [sflag:s25], $0xC800  }
0x31: {  	[sflag:s25] =	ssyncset.done $0x0  }
0x32: {  	s16 =	sadd.s32 $0x0, s17;
	[sflag:s25] =	ssyncadd.s32 $0xFFFF3800  }
0x33: {  	[tilespmem:s19], [sflag:$0x3] =	stream.linear.gather [hbm4b:s16+s3], $0x320, $0x38;
	[tilespmem:$0x19640] =	vst v63  }
0x34: {  	_ =	swait.ge [sflag:s18], $0x320  }
0x35: {  	[sflag:s18] =	ssyncset.done $0x0  }
0x36: {  	[sflag:s18] =	ssyncadd.s32 $0xFFFFFCE0  }
0x37: {  	[tilespmem:s21], [sflag:$0x1] =	stream.indirect.gather [hbm4b:s4+s19], $0x40, s19, s19, $0xb8;
	[tilespmem:$0x19640] =	vst v63  }
0x38: {  	_ =	swait.ge [sflag:s22], $0xC800  }
0x39: {  	[sflag:s22] =	ssyncset.done $0x0  }
0x3a: {  	[sflag:s22] =	ssyncadd.s32 $0xFFFF3800  }
0x3b: {  	[hbm4b:s14+s23] =	stream.strided.scatter [tilespmem:s20], [sflag:$0x2], $0xC800, s24, s23, $0x38;
	[tilespmem:$0x19640] =	vst v63  }
0x3c: {  	_ =	swait.ge [sflag:s25], $0xC800  }
0x3d: {  	[sflag:s25] =	ssyncset.done $0x0  }
0x3e: {  	s2 =	sadd.s32 $0x0, s15;
	[sflag:s25] =	ssyncadd.s32 $0xFFFF3800  }
0x3f: {  	[tilespmem:s3], [sflag:$0x3] =	stream.linear.gather [hbm4b:s2+s3], $0x320, $0x38;
	[tilespmem:$0x19640] =	vst v63  }
0x40: {  	_ =	swait.ge [sflag:s18], $0x320  }
0x41: {  	[sflag:s18] =	ssyncset.done $0x0  }
0x42: {  	[sflag:s18] =	ssyncadd.s32 $0xFFFFFCE0  }
0x43: {  	[tilespmem:s20], [sflag:$0x1] =	stream.indirect.gather [hbm4b:s4+s19], $0x40, s3, s19, $0xb8;
	[tilespmem:$0x19640] =	vst v63  }
0x44: {  	s29 =	simm.s32 $0xC8;
	_ =	swait.ge [sflag:s22], $0xC800  }
0x45: {  	s30 =	sadd.s32 $0x6400, s1;
	s28 =	sadd.s32 $0x640, s12;
	[sflag:s22] =	ssyncset.done $0x0  }
0x46: {  	s31 =	sadd.s32 $0x6400, s14;
	s16 =	smov.u32 s1;
	[sflag:s22] =	ssyncadd.s32 $0xFFFF3800  }
.LBB2_2:
0x47: {  	[hbm4b:s16+s23] =	stream.strided.scatter [tilespmem:s21], [sflag:$0x2], $0xC800, s24, s23, $0x38;
	[tilespmem:$0x19640] =	vst v63  }
0x48: {  	s0 =	smov.u32 s29;
	s29 =	sadd.s32 $0xC8, s29;
	_ =	swait.ge [sflag:s25], $0xC800  }
0x49: {  	s16 =	smov.u32 s30;
	p0 =	sne.s32 s29, $0xAF0;
	[sflag:s25] =	ssyncset.done $0x0  }
0x4a: {  	s2 =	sadd.s32 s0, s17;
	[sflag:s25] =	ssyncadd.s32 $0xFFFF3800  }
0x4b: {  	[tilespmem:s19], [sflag:$0x3] =	stream.linear.gather [hbm4b:s2+s3], $0x320, $0x38;
	[tilespmem:$0x19640] =	vst v63  }
0x4c: {  	_ =	swait.ge [sflag:s18], $0x320  }
0x4d: {  	[sflag:s18] =	ssyncset.done $0x0  }
0x4e: {  	[sflag:s18] =	ssyncadd.s32 $0xFFFFFCE0  }
0x4f: {  	[tilespmem:s21], [sflag:$0x1] =	stream.indirect.gather [hbm4b:s4+s19], $0x40, s19, s19, $0xb8;
	[tilespmem:$0x19640] =	vst v63  }
0x50: {  	_ =	swait.ge [sflag:s22], $0xC800  }
0x51: {  	[sflag:s22] =	ssyncset.done $0x0  }
0x52: {  	[sflag:s22] =	ssyncadd.s32 $0xFFFF3800  }
0x53: {  	[hbm4b:s31+s23] =	stream.strided.scatter [tilespmem:s20], [sflag:$0x2], $0xC800, s24, s23, $0x38;
	[tilespmem:$0x19640] =	vst v63  }
0x54: {  	_ =	swait.ge [sflag:s25], $0xC800  }
0x55: {  	[sflag:s25] =	ssyncset.done $0x0  }
0x56: {  	s0 =	sadd.s32 s0, s15;
	[sflag:s25] =	ssyncadd.s32 $0xFFFF3800  }
0x57: {  	[tilespmem:s3], [sflag:$0x3] =	stream.linear.gather [hbm4b:s0+s3], $0x320, $0x38;
	[tilespmem:$0x19640] =	vst v63  }
0x58: {  	_ =	swait.ge [sflag:s18], $0x320  }
0x59: {  	[sflag:s18] =	ssyncset.done $0x0  }
.Ltmp0:
0x5a: {  	[sflag:s18] =	ssyncadd.s32 $0xFFFFFCE0;
	(pc) =	sbr.rel @p0 .LBB2_2-.Ltmp0, $4  }
0x5b: {  	[tilespmem:s20], [sflag:$0x1] =	stream.indirect.gather [hbm4b:s4+s19], $0x40, s3, s19, $0xb8;
	[tilespmem:$0x19640] =	vst v63  }
0x5c: {  	_ =	swait.ge [sflag:s22], $0xC800  }
0x5d: {  	s30 =	sadd.s32 $0x6400, s30;
	[sflag:s22] =	ssyncset.done $0x0  }
0x5e: {  	s28 =	sadd.s32 $0x640, s28;
	s31 =	sadd.s32 $0x6400, s31;
	[sflag:s22] =	ssyncadd.s32 $0xFFFF3800  }
0x5f: {  	[hbm4b:s16+s23] =	stream.strided.scatter [tilespmem:s21], [sflag:$0x2], $0xC800, s24, s23, $0x38;
	[tilespmem:$0x19640] =	vst v63  }
0x60: {  	_ =	swait.ge [sflag:s25], $0xC800  }
0x61: {  	[sflag:s25] =	ssyncset.done $0x0  }
0x62: {  	s0 =	sadd.s32 s29, s13;
	[sflag:s25] =	ssyncadd.s32 $0xFFFF3800  }
0x63: {  	[tilespmem:s19], [sflag:$0x3] =	stream.linear.gather [hbm4b:s0+s3], $0x320, $0x38;
	[tilespmem:$0x19640] =	vst v63  }
0x64: {  	_ =	swait.ge [sflag:s18], $0x320  }
0x65: {  	[sflag:s18] =	ssyncset.done $0x0  }
0x66: {  	[sflag:s18] =	ssyncadd.s32 $0xFFFFFCE0  }
0x67: {  	[tilespmem:s21], [sflag:$0x1] =	stream.indirect.gather [hbm4b:s4+s19], $0x40, s19, s19, $0xb8;
	[tilespmem:$0x19640] =	vst v63  }
0x68: {  	_ =	swait.ge [sflag:s22], $0xC800  }
0x69: {  	[sflag:s22] =	ssyncset.done $0x0  }
0x6a: {  	[sflag:s22] =	ssyncadd.s32 $0xFFFF3800  }
0x6b: {  	[hbm4b:s11+s23] =	stream.strided.scatter [tilespmem:s20], [sflag:$0x2], $0xC800, s24, s23, $0x38;
	[tilespmem:$0x19640] =	vst v63  }
0x6c: {  	_ =	swait.ge [sflag:s25], $0xC800  }
0x6d: {  	[sflag:s25] =	ssyncset.done $0x0  }
0x6e: {  	[sflag:s25] =	ssyncadd.s32 $0xFFFF3800  }
0x6f: {  	_ =	swait.ge [sflag:s22], $0xC800  }
0x70: {  	[sflag:s22] =	ssyncset.done $0x0  }
0x71: {  	s31 =	sshll.u32 s28, $0x4;
	s26 =	sadd.s32 $0x1, s26;
	[sflag:s22] =	ssyncadd.s32 $0xFFFF3800  }
0x72: {  	p0 =	sne.s32 s26, s6;
	s0 =	sand.u32 $0x1FFFCE00, s31;
	s2 =	rddreg [dreg:$0x2]  }
.Ltmp1:
0x73: {  	s0 =	sadd.s32 s2, s0;
	(pc) =	sbr.rel @p0 .LBB2_1-.Ltmp1, $4  }
0x74: {  	[hbm4b:s0+s23] =	stream.strided.scatter [tilespmem:s21], [sflag:$0x2], $0xC800, s24, s23, $0x38;
	[tilespmem:$0x19640] =	vst v63  }
0x75: {  	_ =	swait.ge [sflag:s25], $0xC800  }
0x76: {  	[sflag:s25] =	ssyncset.done $0x0  }
0x77: {  	[sflag:s25] =	ssyncadd.s32 $0xFFFF3800  }
0x78: {  	_ =	sfence.sel $0x180000  }
0x79: {  	[bflag:$0x0] =	sbarrier.arrive $0xFFFF  }
0x7a: {  	_ =	strace $0x90000047  }
0x7b: {  	s0 =	stileid.u32;
	[bflag:$0x2] =	sbarrier.arrive $0xFFFF  }
0x7c: {  	p0 =	sne.s32 s0, $0x0;
	s0 =	rddreg [dreg:$0x3]  }
0x7d: {  	s0 =	sadd.s32 @!p0 $0x100000, s0  }
0x7e: {  	[sflag:s0] =	ssyncadd.tile.s32 @!p0 $0x1;
	_ =	shalt  }
.Lfunc_end2:
_tile_overlayer_lowered:
.L_overlay_start_2:
0x7f: {  	(tag) =	ssettag $0x2  }
0x80: {  	s0 =	rddreg [dreg:$0x0];
	s2 =	stileid.u32  }
0x81: {  	s1 =	rddreg [dreg:$0x1];
	p0 =	sne.s32 s2, $0x0  }
0x82: {  	s3 =	rddreg [dreg:$0x2];
	[bflag:$0x3] =	sbarrier.arrive $0xFFFF;
	s2 =	simm.s32 @!p0 $0x1C03  }
0x83: {  	[timem:s3], [sflag:s2] =	dma.local @!p0 [hbm:s0], s1  }
0x84: {  	s0 =	simm.s32 @!p0 $0x3  }
0x85: {  	_ =	swait.ge @!p0 [sflag:s0], s1  }
0x86: {  	s1 =	ssub.s32 @!p0 $0x0, s1;
	[sflag:s0] =	ssyncset.done @!p0 $0x0  }
0x87: {  	[sflag:s0] =	ssyncadd.s32 @!p0 s1  }
0x88: {  	[bflag:$0x3] =	sbarrier.arrive $0xFFFF  }
0x89: {  	_ =	shalt  }

</sc_bundles>
